<compile_context>
chip_gen: v7x
topology: tpu7x:2x2x1
jax: 0.10.2.dev20260603
libtpu: 0.0.44.dev20260713+nightly
codegen_flags: <defaults>
</compile_context>

<pallas_src>
import functools

import jax
import jax.numpy as jnp
from jax import lax
from jax.experimental import pallas as pl
from jax.experimental.pallas import tpu as pltpu
from jax.experimental.pallas import tpu_sc as plsc

_D = 128
_NW = 32
_CHUNK = 128
_NBUF = 4
_AHEAD = 2


def _make_gather(B):
    bpw = B // _NW
    nch = bpw // _CHUNK
    assert nch % _NBUF == 0
    mesh = plsc.VectorSubcoreMesh(core_axis_name="c", subcore_axis_name="s")

    @functools.partial(
        pl.kernel,
        mesh=mesh,
        out_type=jax.ShapeDtypeStruct((B, _D), jnp.float32),
        scratch_types=[
            pltpu.VMEM((nch, _CHUNK), jnp.int32),
            pltpu.VMEM((_NBUF, _CHUNK, _D), jnp.float32),
            pltpu.SemaphoreType.DMA((_NBUF,)),
            pltpu.SemaphoreType.DMA((_NBUF,)),
        ],
    )
    def gather_kernel(idx_hbm, table_hbm, out_hbm, idx_v, rows_v, gsem, ssem):
        cid = lax.axis_index("c")
        sid = lax.axis_index("s")
        wid = sid * 2 + cid
        base = wid * bpw
        pltpu.sync_copy(idx_hbm.at[wid], idx_v)

        for b in range(_AHEAD):
            pltpu.async_copy(table_hbm.at[idx_v.at[b]], rows_v.at[b], gsem.at[b])

        def outer(p, carry):
            for b in range(_NBUF):
                j = p * _NBUF + b
                pltpu.make_async_copy(
                    table_hbm.at[idx_v.at[j]], rows_v.at[b], gsem.at[b]
                ).wait()
                pltpu.async_copy(
                    rows_v.at[b],
                    out_hbm.at[pl.ds(base + j * _CHUNK, _CHUNK)],
                    ssem.at[b],
                )
                bf = (b + _AHEAD) % _NBUF
                f = j + _AHEAD
                fprev = f - _NBUF

                @pl.when(fprev >= 0)
                def _wait_prev():
                    pltpu.make_async_copy(
                        rows_v.at[bf],
                        out_hbm.at[pl.ds(base + (fprev) * _CHUNK, _CHUNK)],
                        ssem.at[bf],
                    ).wait()

                @pl.when(f < nch)
                def _prefetch():
                    pltpu.async_copy(
                        table_hbm.at[idx_v.at[f]], rows_v.at[bf], gsem.at[bf]
                    )

            return carry

        lax.fori_loop(0, nch // _NBUF, outer, 0)

        for j_last in range(nch - (_NBUF - _AHEAD), nch):
            b = j_last % _NBUF
            pltpu.make_async_copy(
                rows_v.at[b],
                out_hbm.at[pl.ds(base + j_last * _CHUNK, _CHUNK)],
                ssem.at[b],
            ).wait()

    return gather_kernel


def kernel(indices, table):
    bsz, hist = indices.shape
    B = bsz * hist
    idx = indices.astype(jnp.int32).reshape(_NW, B // _NW // _CHUNK, _CHUNK)
    out = _make_gather(B)(idx, table)
    return out.reshape(bsz, hist, _D)

# --- scband reference (transcript-rebuilt; emitter-appended) ---
"""Pipeline reference for scband-custom-embedding-22522808500532 (READ-ONLY COPY).

The authoritative reference and input builder live on the scoring server;
editing this copy changes nothing except your own understanding.
"""

import jax, jax.numpy as jnp
import numpy as np

VOCAB = 100000
EMBED_DIM = 128
BATCH = 4096
HIST = 200

def setup_inputs(seed: int = 0) -> dict:
    key = jax.random.key(seed)
    k_idx, k_tab = jax.random.split(key)
    indices = jax.random.randint(k_idx, (BATCH, HIST), 0, VOCAB, dtype=jnp.int64 if jax.config.jax_enable_x64 else jnp.int32)
    table = jax.random.normal(k_tab, (VOCAB, EMBED_DIM), dtype=jnp.float32) * 0.02
    return {"indices": indices, "table": table}

def reference(indices, table):
    # nn.Embedding forward: row gather from the (trainable) pretrained table
    embedded = jnp.take(table, indices, axis=0)
    return embedded

if __name__ == "__main__":
    import jax
    _d = setup_inputs()
    print(jax.jit(kernel)(*tuple(_d.values())))

</pallas_src>

<mosaic_0001>
#map = affine_map<(d0, d1) -> (0, 0, 0)>
#map1 = affine_map<(d0, d1) -> (0, 0)>
module attributes {stable_mosaic.version = 14 : i64} {
  func.func @gather_kernel(%arg0: i32, %arg1: i32, %arg2: memref<32x200x128xi32, #tpu.memory_space<hbm>>, %arg3: memref<100000x128xf32, #tpu.memory_space<hbm>>, %arg4: memref<819200x128xf32, #tpu.memory_space<hbm>>, %arg5: memref<200x128xi32, #tpu.memory_space<vmem>>, %arg6: memref<4x128x128xf32, #tpu.memory_space<vmem>>, %arg7: memref<4x!tpu.dma_semaphore, #tpu.memory_space<semaphore_mem>>, %arg8: memref<4x!tpu.dma_semaphore, #tpu.memory_space<semaphore_mem>>) attributes {dimension_semantics = [#tpu.dimension_semantics<core_parallel>, #tpu.dimension_semantics<subcore_parallel>], iteration_bounds = array<i64: 2, 16>, scalar_prefetch = 0 : i64, scratch_operands = 4 : i64, tpu.core_type = #tpu.core_type<sc_vector_subcore>, window_params = [{transform_indices = #map}, {transform_indices = #map1}, {transform_indices = #map1}]} {
    %mul3A = arith.constant 2 : i32
    %mul3A_0 = arith.muli %arg1, %mul3A : i32
    %add3A = arith.addi %mul3A_0, %arg0 : i32
    %mul3A_1 = arith.constant 25600 : i32
    %mul3A_2 = arith.muli %add3A, %mul3A_1 : i32
    "tpu.region"() ({
      %run_scoped3A = tpu.sem_alloc : memref<!tpu.dma_semaphore, #tpu.memory_space<semaphore_mem>>
      %dma_start3A_72 = arith.constant 0 : i32
      %dma_start3A_73 = arith.constant 0 : i32
      %dma_start3A_74 = tpu.memref_slice %arg2[%add3A, %dma_start3A_72, %dma_start3A_73] : memref<32x200x128xi32, #tpu.memory_space<hbm>> -> memref<1x200x128xi32, #tpu.memory_space<hbm>>
      %dma_start3A_75 = tpu.memref_squeeze %dma_start3A_74 : memref<1x200x128xi32, #tpu.memory_space<hbm>> -> memref<200x128xi32, #tpu.memory_space<hbm>>
      %dma_start3A_76 = arith.constant 0 : i32
      %dma_start3A_77 = arith.constant 0 : i32
      %dma_start3A_78 = tpu.memref_slice %arg2[%add3A, %dma_start3A_76, %dma_start3A_77] : memref<32x200x128xi32, #tpu.memory_space<hbm>> -> memref<1x200x128xi32, #tpu.memory_space<hbm>>
      %dma_start3A_79 = tpu.memref_squeeze %dma_start3A_78 : memref<1x200x128xi32, #tpu.memory_space<hbm>> -> memref<200x128xi32, #tpu.memory_space<hbm>>
      tpu.enqueue_dma source(%dma_start3A_79 : memref<200x128xi32, #tpu.memory_space<hbm>>) target(%arg5 : memref<200x128xi32, #tpu.memory_space<vmem>>) target_semaphore(%run_scoped3A : memref<!tpu.dma_semaphore, #tpu.memory_space<semaphore_mem>>)
      %dma_wait3A_80 = arith.constant 0 : i32
      %dma_wait3A_81 = arith.constant 0 : i32
      %dma_wait3A_82 = tpu.memref_slice %arg2[%add3A, %dma_wait3A_80, %dma_wait3A_81] : memref<32x200x128xi32, #tpu.memory_space<hbm>> -> memref<1x200x128xi32, #tpu.memory_space<hbm>>
      %dma_wait3A_83 = tpu.memref_squeeze %dma_wait3A_82 : memref<1x200x128xi32, #tpu.memory_space<hbm>> -> memref<200x128xi32, #tpu.memory_space<hbm>>
      %dma_wait3A_84 = arith.constant 0 : i32
      %dma_wait3A_85 = arith.constant 0 : i32
      %dma_wait3A_86 = tpu.memref_slice %arg2[%add3A, %dma_wait3A_84, %dma_wait3A_85] : memref<32x200x128xi32, #tpu.memory_space<hbm>> -> memref<1x200x128xi32, #tpu.memory_space<hbm>>
      %dma_wait3A_87 = tpu.memref_squeeze %dma_wait3A_86 : memref<1x200x128xi32, #tpu.memory_space<hbm>> -> memref<200x128xi32, #tpu.memory_space<hbm>>
      tpu.wait_dma2 semaphore(%run_scoped3A : memref<!tpu.dma_semaphore, #tpu.memory_space<semaphore_mem>>) src(%dma_wait3A_87 : memref<200x128xi32, #tpu.memory_space<hbm>>) dst(%arg5 : memref<200x128xi32, #tpu.memory_space<vmem>>)
      tpu.yield
    }) : () -> ()
    %dma_start3A = arith.constant 0 : i32
    %dma_start3A_3 = arith.constant 0 : i32
    %dma_start3A_4 = arith.constant 0 : i32
    %dma_start3A_5 = arith.constant 0 : i32
    %dma_start3A_6 = arith.constant 0 : i32
    %dma_start3A_7 = tpu.memref_slice %arg6[%dma_start3A_3, %dma_start3A_5, %dma_start3A_6] : memref<4x128x128xf32, #tpu.memory_space<vmem>> -> memref<1x128x128xf32, #tpu.memory_space<vmem>>
    %dma_start3A_8 = tpu.memref_squeeze %dma_start3A_7 : memref<1x128x128xf32, #tpu.memory_space<vmem>> -> memref<128x128xf32, #tpu.memory_space<vmem>>
    %dma_start3A_9 = arith.constant 0 : i32
    %dma_start3A_10 = tpu.memref_slice %arg5[%dma_start3A, %dma_start3A_9] : memref<200x128xi32, #tpu.memory_space<vmem>> -> memref<1x128xi32, #tpu.memory_space<vmem>>
    %dma_start3A_11 = tpu.memref_squeeze %dma_start3A_10 : memref<1x128xi32, #tpu.memory_space<vmem>> -> memref<128xi32, #tpu.memory_space<vmem>>
    %dma_start3A_12 = arith.constant 0 : i32
    %dma_start3A_13 = arith.constant 0 : i32
    %dma_start3A_14 = tpu.memref_slice %arg3[%dma_start3A_12, %dma_start3A_13] : memref<100000x128xf32, #tpu.memory_space<hbm>> -> memref<100000x128xf32, #tpu.memory_space<hbm>>
    %dma_start3A_15 = tpu.memref_slice %arg7[%dma_start3A_4] : memref<4x!tpu.dma_semaphore, #tpu.memory_space<semaphore_mem>> -> memref<1x!tpu.dma_semaphore, #tpu.memory_space<semaphore_mem>>
    %dma_start3A_16 = tpu.memref_squeeze %dma_start3A_15 : memref<1x!tpu.dma_semaphore, #tpu.memory_space<semaphore_mem>> -> memref<!tpu.dma_semaphore, #tpu.memory_space<semaphore_mem>>
    tpu.enqueue_indirect_dma source(%dma_start3A_14 : memref<100000x128xf32, #tpu.memory_space<hbm>>) target(%dma_start3A_8 : memref<128x128xf32, #tpu.memory_space<vmem>>) offsets(%dma_start3A_11 : memref<128xi32, #tpu.memory_space<vmem>>) semaphore(%dma_start3A_16 : memref<!tpu.dma_semaphore, #tpu.memory_space<semaphore_mem>>)
    %dma_start3A_17 = arith.constant 1 : i32
    %dma_start3A_18 = arith.constant 1 : i32
    %dma_start3A_19 = arith.constant 1 : i32
    %dma_start3A_20 = arith.constant 0 : i32
    %dma_start3A_21 = arith.constant 0 : i32
    %dma_start3A_22 = tpu.memref_slice %arg6[%dma_start3A_18, %dma_start3A_20, %dma_start3A_21] : memref<4x128x128xf32, #tpu.memory_space<vmem>> -> memref<1x128x128xf32, #tpu.memory_space<vmem>>
    %dma_start3A_23 = tpu.memref_squeeze %dma_start3A_22 : memref<1x128x128xf32, #tpu.memory_space<vmem>> -> memref<128x128xf32, #tpu.memory_space<vmem>>
    %dma_start3A_24 = arith.constant 0 : i32
    %dma_start3A_25 = tpu.memref_slice %arg5[%dma_start3A_17, %dma_start3A_24] : memref<200x128xi32, #tpu.memory_space<vmem>> -> memref<1x128xi32, #tpu.memory_space<vmem>>
    %dma_start3A_26 = tpu.memref_squeeze %dma_start3A_25 : memref<1x128xi32, #tpu.memory_space<vmem>> -> memref<128xi32, #tpu.memory_space<vmem>>
    %dma_start3A_27 = arith.constant 0 : i32
    %dma_start3A_28 = arith.constant 0 : i32
    %dma_start3A_29 = tpu.memref_slice %arg3[%dma_start3A_27, %dma_start3A_28] : memref<100000x128xf32, #tpu.memory_space<hbm>> -> memref<100000x128xf32, #tpu.memory_space<hbm>>
    %dma_start3A_30 = tpu.memref_slice %arg7[%dma_start3A_19] : memref<4x!tpu.dma_semaphore, #tpu.memory_space<semaphore_mem>> -> memref<1x!tpu.dma_semaphore, #tpu.memory_space<semaphore_mem>>
    %dma_start3A_31 = tpu.memref_squeeze %dma_start3A_30 : memref<1x!tpu.dma_semaphore, #tpu.memory_space<semaphore_mem>> -> memref<!tpu.dma_semaphore, #tpu.memory_space<semaphore_mem>>
    tpu.enqueue_indirect_dma source(%dma_start3A_29 : memref<100000x128xf32, #tpu.memory_space<hbm>>) target(%dma_start3A_23 : memref<128x128xf32, #tpu.memory_space<vmem>>) offsets(%dma_start3A_26 : memref<128xi32, #tpu.memory_space<vmem>>) semaphore(%dma_start3A_31 : memref<!tpu.dma_semaphore, #tpu.memory_space<semaphore_mem>>)
    %scan3A = arith.constant 0 : i32
    %scan3A_32 = arith.constant 0 : i32
    %scan3A_33 = arith.constant 50 : i32
    %scan3A_34 = arith.addi %scan3A_32, %scan3A_33 : i32
    %scan3A_35 = arith.constant 1 : i32
    scf.for %scan3A_72 = %scan3A_32 to %scan3A_34 step %scan3A_35  : i32 {
      %mul3A_73 = arith.constant 4 : i32
      %mul3A_74 = arith.muli %scan3A_72, %mul3A_73 : i32
      %add3A_75 = arith.constant 0 : i32
      %add3A_76 = arith.addi %mul3A_74, %add3A_75 : i32
      %dma_wait3A_77 = arith.constant 0 : i32
      %dma_wait3A_78 = arith.constant 0 : i32
      %dma_wait3A_79 = arith.constant 0 : i32
      %dma_wait3A_80 = arith.constant 0 : i32
      %dma_wait3A_81 = tpu.memref_slice %arg6[%dma_wait3A_77, %dma_wait3A_79, %dma_wait3A_80] : memref<4x128x128xf32, #tpu.memory_space<vmem>> -> memref<1x128x128xf32, #tpu.memory_space<vmem>>
      %dma_wait3A_82 = tpu.memref_squeeze %dma_wait3A_81 : memref<1x128x128xf32, #tpu.memory_space<vmem>> -> memref<128x128xf32, #tpu.memory_space<vmem>>
      %dma_wait3A_83 = arith.constant 0 : i32
      %dma_wait3A_84 = tpu.memref_slice %arg5[%add3A_76, %dma_wait3A_83] : memref<200x128xi32, #tpu.memory_space<vmem>> -> memref<1x128xi32, #tpu.memory_space<vmem>>
      %dma_wait3A_85 = tpu.memref_squeeze %dma_wait3A_84 : memref<1x128xi32, #tpu.memory_space<vmem>> -> memref<128xi32, #tpu.memory_space<vmem>>
      %dma_wait3A_86 = arith.constant 0 : i32
      %dma_wait3A_87 = arith.constant 0 : i32
      %dma_wait3A_88 = tpu.memref_slice %arg3[%dma_wait3A_86, %dma_wait3A_87] : memref<100000x128xf32, #tpu.memory_space<hbm>> -> memref<100000x128xf32, #tpu.memory_space<hbm>>
      %dma_wait3A_89 = tpu.memref_slice %arg7[%dma_wait3A_78] : memref<4x!tpu.dma_semaphore, #tpu.memory_space<semaphore_mem>> -> memref<1x!tpu.dma_semaphore, #tpu.memory_space<semaphore_mem>>
      %dma_wait3A_90 = tpu.memref_squeeze %dma_wait3A_89 : memref<1x!tpu.dma_semaphore, #tpu.memory_space<semaphore_mem>> -> memref<!tpu.dma_semaphore, #tpu.memory_space<semaphore_mem>>
      tpu.wait_indirect_dma semaphore(%dma_wait3A_90 : memref<!tpu.dma_semaphore, #tpu.memory_space<semaphore_mem>>) src(%dma_wait3A_88 : memref<100000x128xf32, #tpu.memory_space<hbm>>) dst(%dma_wait3A_82 : memref<128x128xf32, #tpu.memory_space<vmem>>)
      %mul3A_91 = arith.constant 128 : i32
      %mul3A_92 = arith.muli %add3A_76, %mul3A_91 : i32
      %add3A_93 = arith.addi %mul3A_2, %mul3A_92 : i32
      %dma_start3A_94 = arith.constant 0 : i32
      %dma_start3A_95 = arith.constant 0 : i32
      %dma_start3A_96 = arith.constant 0 : i32
      %dma_start3A_97 = arith.constant 0 : i32
      %dma_start3A_98 = tpu.memref_slice %arg6[%dma_start3A_94, %dma_start3A_96, %dma_start3A_97] : memref<4x128x128xf32, #tpu.memory_space<vmem>> -> memref<1x128x128xf32, #tpu.memory_space<vmem>>
      %dma_start3A_99 = tpu.memref_squeeze %dma_start3A_98 : memref<1x128x128xf32, #tpu.memory_space<vmem>> -> memref<128x128xf32, #tpu.memory_space<vmem>>
      %dma_start3A_100 = arith.constant 0 : i32
      %dma_start3A_101 = tpu.memref_slice %arg4[%add3A_93, %dma_start3A_100] : memref<819200x128xf32, #tpu.memory_space<hbm>> -> memref<128x128xf32, #tpu.memory_space<hbm>>
      %dma_start3A_102 = tpu.memref_slice %arg8[%dma_start3A_95] : memref<4x!tpu.dma_semaphore, #tpu.memory_space<semaphore_mem>> -> memref<1x!tpu.dma_semaphore, #tpu.memory_space<semaphore_mem>>
      %dma_start3A_103 = tpu.memref_squeeze %dma_start3A_102 : memref<1x!tpu.dma_semaphore, #tpu.memory_space<semaphore_mem>> -> memref<!tpu.dma_semaphore, #tpu.memory_space<semaphore_mem>>
      %dma_start3A_104 = arith.constant 0 : i32
      %dma_start3A_105 = tpu.memref_slice %arg4[%add3A_93, %dma_start3A_104] : memref<819200x128xf32, #tpu.memory_space<hbm>> -> memref<128x128xf32, #tpu.memory_space<hbm>>
      %dma_start3A_106 = arith.constant 0 : i32
      %dma_start3A_107 = arith.constant 0 : i32
      %dma_start3A_108 = tpu.memref_slice %arg6[%dma_start3A_94, %dma_start3A_106, %dma_start3A_107] : memref<4x128x128xf32, #tpu.memory_space<vmem>> -> memref<1x128x128xf32, #tpu.memory_space<vmem>>
      %dma_start3A_109 = tpu.memref_squeeze %dma_start3A_108 : memref<1x128x128xf32, #tpu.memory_space<vmem>> -> memref<128x128xf32, #tpu.memory_space<vmem>>
      tpu.enqueue_dma source(%dma_start3A_109 : memref<128x128xf32, #tpu.memory_space<vmem>>) target(%dma_start3A_105 : memref<128x128xf32, #tpu.memory_space<hbm>>) target_semaphore(%dma_start3A_103 : memref<!tpu.dma_semaphore, #tpu.memory_space<semaphore_mem>>)
      %add3A_110 = arith.constant 2 : i32
      %add3A_111 = arith.addi %add3A_76, %add3A_110 : i32
      %sub3A = arith.constant 4 : i32
      %sub3A_112 = arith.subi %add3A_111, %sub3A : i32
      %ge3A = arith.constant 0 : i32
      %ge3A_113 = arith.cmpi sge, %sub3A_112, %ge3A : i32
      %convert_element_type3A = arith.extui %ge3A_113 : i1 to i32
      %cond3A = arith.constant 0 : i32
      %cond3A_114 = arith.cmpi ne, %convert_element_type3A, %cond3A : i32
      scf.if %cond3A_114 {
        %mul3A_272 = arith.constant 128 : i32
        %mul3A_273 = arith.muli %sub3A_112, %mul3A_272 : i32
        %add3A_274 = arith.addi %mul3A_2, %mul3A_273 : i32
        %dma_wait3A_275 = arith.constant 2 : i32
        %dma_wait3A_276 = arith.constant 2 : i32
        %dma_wait3A_277 = arith.constant 0 : i32
        %dma_wait3A_278 = arith.constant 0 : i32
        %dma_wait3A_279 = tpu.memref_slice %arg6[%dma_wait3A_275, %dma_wait3A_277, %dma_wait3A_278] : memref<4x128x128xf32, #tpu.memory_space<vmem>> -> memref<1x128x128xf32, #tpu.memory_space<vmem>>
        %dma_wait3A_280 = tpu.memref_squeeze %dma_wait3A_279 : memref<1x128x128xf32, #tpu.memory_space<vmem>> -> memref<128x128xf32, #tpu.memory_space<vmem>>
        %dma_wait3A_281 = arith.constant 0 : i32
        %dma_wait3A_282 = tpu.memref_slice %arg4[%add3A_274, %dma_wait3A_281] : memref<819200x128xf32, #tpu.memory_space<hbm>> -> memref<128x128xf32, #tpu.memory_space<hbm>>
        %dma_wait3A_283 = tpu.memref_slice %arg8[%dma_wait3A_276] : memref<4x!tpu.dma_semaphore, #tpu.memory_space<semaphore_mem>> -> memref<1x!tpu.dma_semaphore, #tpu.memory_space<semaphore_mem>>
        %dma_wait3A_284 = tpu.memref_squeeze %dma_wait3A_283 : memref<1x!tpu.dma_semaphore, #tpu.memory_space<semaphore_mem>> -> memref<!tpu.dma_semaphore, #tpu.memory_space<semaphore_mem>>
        %dma_wait3A_285 = arith.constant 0 : i32
        %dma_wait3A_286 = tpu.memref_slice %arg4[%add3A_274, %dma_wait3A_285] : memref<819200x128xf32, #tpu.memory_space<hbm>> -> memref<128x128xf32, #tpu.memory_space<hbm>>
        %dma_wait3A_287 = arith.constant 0 : i32
        %dma_wait3A_288 = arith.constant 0 : i32
        %dma_wait3A_289 = tpu.memref_slice %arg6[%dma_wait3A_275, %dma_wait3A_287, %dma_wait3A_288] : memref<4x128x128xf32, #tpu.memory_space<vmem>> -> memref<1x128x128xf32, #tpu.memory_space<vmem>>
        %dma_wait3A_290 = tpu.memref_squeeze %dma_wait3A_289 : memref<1x128x128xf32, #tpu.memory_space<vmem>> -> memref<128x128xf32, #tpu.memory_space<vmem>>
        tpu.wait_dma2 semaphore(%dma_wait3A_284 : memref<!tpu.dma_semaphore, #tpu.memory_space<semaphore_mem>>) src(%dma_wait3A_290 : memref<128x128xf32, #tpu.memory_space<vmem>>) dst(%dma_wait3A_286 : memref<128x128xf32, #tpu.memory_space<hbm>>)
      } else {
      }
      %lt3A = arith.constant 200 : i32
      %lt3A_115 = arith.cmpi slt, %add3A_111, %lt3A : i32
      %convert_element_type3A_116 = arith.extui %lt3A_115 : i1 to i32
      %cond3A_117 = arith.constant 0 : i32
      %cond3A_118 = arith.cmpi ne, %convert_element_type3A_116, %cond3A_117 : i32
      scf.if %cond3A_118 {
        %dma_start3A_272 = arith.constant 2 : i32
        %dma_start3A_273 = arith.constant 2 : i32
        %dma_start3A_274 = arith.constant 0 : i32
        %dma_start3A_275 = arith.constant 0 : i32
        %dma_start3A_276 = tpu.memref_slice %arg6[%dma_start3A_272, %dma_start3A_274, %dma_start3A_275] : memref<4x128x128xf32, #tpu.memory_space<vmem>> -> memref<1x128x128xf32, #tpu.memory_space<vmem>>
        %dma_start3A_277 = tpu.memref_squeeze %dma_start3A_276 : memref<1x128x128xf32, #tpu.memory_space<vmem>> -> memref<128x128xf32, #tpu.memory_space<vmem>>
        %dma_start3A_278 = arith.constant 0 : i32
        %dma_start3A_279 = tpu.memref_slice %arg5[%add3A_111, %dma_start3A_278] : memref<200x128xi32, #tpu.memory_space<vmem>> -> memref<1x128xi32, #tpu.memory_space<vmem>>
        %dma_start3A_280 = tpu.memref_squeeze %dma_start3A_279 : memref<1x128xi32, #tpu.memory_space<vmem>> -> memref<128xi32, #tpu.memory_space<vmem>>
        %dma_start3A_281 = arith.constant 0 : i32
        %dma_start3A_282 = arith.constant 0 : i32
        %dma_start3A_283 = tpu.memref_slice %arg3[%dma_start3A_281, %dma_start3A_282] : memref<100000x128xf32, #tpu.memory_space<hbm>> -> memref<100000x128xf32, #tpu.memory_space<hbm>>
        %dma_start3A_284 = tpu.memref_slice %arg7[%dma_start3A_273] : memref<4x!tpu.dma_semaphore, #tpu.memory_space<semaphore_mem>> -> memref<1x!tpu.dma_semaphore, #tpu.memory_space<semaphore_mem>>
        %dma_start3A_285 = tpu.memref_squeeze %dma_start3A_284 : memref<1x!tpu.dma_semaphore, #tpu.memory_space<semaphore_mem>> -> memref<!tpu.dma_semaphore, #tpu.memory_space<semaphore_mem>>
        tpu.enqueue_indirect_dma source(%dma_start3A_283 : memref<100000x128xf32, #tpu.memory_space<hbm>>) target(%dma_start3A_277 : memref<128x128xf32, #tpu.memory_space<vmem>>) offsets(%dma_start3A_280 : memref<128xi32, #tpu.memory_space<vmem>>) semaphore(%dma_start3A_285 : memref<!tpu.dma_semaphore, #tpu.memory_space<semaphore_mem>>)
      } else {
      }
      %mul3A_119 = arith.constant 4 : i32
      %mul3A_120 = arith.muli %scan3A_72, %mul3A_119 : i32
      %add3A_121 = arith.constant 1 : i32
      %add3A_122 = arith.addi %mul3A_120, %add3A_121 : i32
      %dma_wait3A_123 = arith.constant 1 : i32
      %dma_wait3A_124 = arith.constant 1 : i32
      %dma_wait3A_125 = arith.constant 0 : i32
      %dma_wait3A_126 = arith.constant 0 : i32
      %dma_wait3A_127 = tpu.memref_slice %arg6[%dma_wait3A_123, %dma_wait3A_125, %dma_wait3A_126] : memref<4x128x128xf32, #tpu.memory_space<vmem>> -> memref<1x128x128xf32, #tpu.memory_space<vmem>>
      %dma_wait3A_128 = tpu.memref_squeeze %dma_wait3A_127 : memref<1x128x128xf32, #tpu.memory_space<vmem>> -> memref<128x128xf32, #tpu.memory_space<vmem>>
      %dma_wait3A_129 = arith.constant 0 : i32
      %dma_wait3A_130 = tpu.memref_slice %arg5[%add3A_122, %dma_wait3A_129] : memref<200x128xi32, #tpu.memory_space<vmem>> -> memref<1x128xi32, #tpu.memory_space<vmem>>
      %dma_wait3A_131 = tpu.memref_squeeze %dma_wait3A_130 : memref<1x128xi32, #tpu.memory_space<vmem>> -> memref<128xi32, #tpu.memory_space<vmem>>
      %dma_wait3A_132 = arith.constant 0 : i32
      %dma_wait3A_133 = arith.constant 0 : i32
      %dma_wait3A_134 = tpu.memref_slice %arg3[%dma_wait3A_132, %dma_wait3A_133] : memref<100000x128xf32, #tpu.memory_space<hbm>> -> memref<100000x128xf32, #tpu.memory_space<hbm>>
      %dma_wait3A_135 = tpu.memref_slice %arg7[%dma_wait3A_124] : memref<4x!tpu.dma_semaphore, #tpu.memory_space<semaphore_mem>> -> memref<1x!tpu.dma_semaphore, #tpu.memory_space<semaphore_mem>>
      %dma_wait3A_136 = tpu.memref_squeeze %dma_wait3A_135 : memref<1x!tpu.dma_semaphore, #tpu.memory_space<semaphore_mem>> -> memref<!tpu.dma_semaphore, #tpu.memory_space<semaphore_mem>>
      tpu.wait_indirect_dma semaphore(%dma_wait3A_136 : memref<!tpu.dma_semaphore, #tpu.memory_space<semaphore_mem>>) src(%dma_wait3A_134 : memref<100000x128xf32, #tpu.memory_space<hbm>>) dst(%dma_wait3A_128 : memref<128x128xf32, #tpu.memory_space<vmem>>)
      %mul3A_137 = arith.constant 128 : i32
      %mul3A_138 = arith.muli %add3A_122, %mul3A_137 : i32
      %add3A_139 = arith.addi %mul3A_2, %mul3A_138 : i32
      %dma_start3A_140 = arith.constant 1 : i32
      %dma_start3A_141 = arith.constant 1 : i32
      %dma_start3A_142 = arith.constant 0 : i32
      %dma_start3A_143 = arith.constant 0 : i32
      %dma_start3A_144 = tpu.memref_slice %arg6[%dma_start3A_140, %dma_start3A_142, %dma_start3A_143] : memref<4x128x128xf32, #tpu.memory_space<vmem>> -> memref<1x128x128xf32, #tpu.memory_space<vmem>>
      %dma_start3A_145 = tpu.memref_squeeze %dma_start3A_144 : memref<1x128x128xf32, #tpu.memory_space<vmem>> -> memref<128x128xf32, #tpu.memory_space<vmem>>
      %dma_start3A_146 = arith.constant 0 : i32
      %dma_start3A_147 = tpu.memref_slice %arg4[%add3A_139, %dma_start3A_146] : memref<819200x128xf32, #tpu.memory_space<hbm>> -> memref<128x128xf32, #tpu.memory_space<hbm>>
      %dma_start3A_148 = tpu.memref_slice %arg8[%dma_start3A_141] : memref<4x!tpu.dma_semaphore, #tpu.memory_space<semaphore_mem>> -> memref<1x!tpu.dma_semaphore, #tpu.memory_space<semaphore_mem>>
      %dma_start3A_149 = tpu.memref_squeeze %dma_start3A_148 : memref<1x!tpu.dma_semaphore, #tpu.memory_space<semaphore_mem>> -> memref<!tpu.dma_semaphore, #tpu.memory_space<semaphore_mem>>
      %dma_start3A_150 = arith.constant 0 : i32
      %dma_start3A_151 = tpu.memref_slice %arg4[%add3A_139, %dma_start3A_150] : memref<819200x128xf32, #tpu.memory_space<hbm>> -> memref<128x128xf32, #tpu.memory_space<hbm>>
      %dma_start3A_152 = arith.constant 0 : i32
      %dma_start3A_153 = arith.constant 0 : i32
      %dma_start3A_154 = tpu.memref_slice %arg6[%dma_start3A_140, %dma_start3A_152, %dma_start3A_153] : memref<4x128x128xf32, #tpu.memory_space<vmem>> -> memref<1x128x128xf32, #tpu.memory_space<vmem>>
      %dma_start3A_155 = tpu.memref_squeeze %dma_start3A_154 : memref<1x128x128xf32, #tpu.memory_space<vmem>> -> memref<128x128xf32, #tpu.memory_space<vmem>>
      tpu.enqueue_dma source(%dma_start3A_155 : memref<128x128xf32, #tpu.memory_space<vmem>>) target(%dma_start3A_151 : memref<128x128xf32, #tpu.memory_space<hbm>>) target_semaphore(%dma_start3A_149 : memref<!tpu.dma_semaphore, #tpu.memory_space<semaphore_mem>>)
      %add3A_156 = arith.constant 2 : i32
      %add3A_157 = arith.addi %add3A_122, %add3A_156 : i32
      %sub3A_158 = arith.constant 4 : i32
      %sub3A_159 = arith.subi %add3A_157, %sub3A_158 : i32
      %ge3A_160 = arith.constant 0 : i32
      %ge3A_161 = arith.cmpi sge, %sub3A_159, %ge3A_160 : i32
      %convert_element_type3A_162 = arith.extui %ge3A_161 : i1 to i32
      %cond3A_163 = arith.constant 0 : i32
      %cond3A_164 = arith.cmpi ne, %convert_element_type3A_162, %cond3A_163 : i32
      scf.if %cond3A_164 {
        %mul3A_272 = arith.constant 128 : i32
        %mul3A_273 = arith.muli %sub3A_159, %mul3A_272 : i32
        %add3A_274 = arith.addi %mul3A_2, %mul3A_273 : i32
        %dma_wait3A_275 = arith.constant 3 : i32
        %dma_wait3A_276 = arith.constant 3 : i32
        %dma_wait3A_277 = arith.constant 0 : i32
        %dma_wait3A_278 = arith.constant 0 : i32
        %dma_wait3A_279 = tpu.memref_slice %arg6[%dma_wait3A_275, %dma_wait3A_277, %dma_wait3A_278] : memref<4x128x128xf32, #tpu.memory_space<vmem>> -> memref<1x128x128xf32, #tpu.memory_space<vmem>>
        %dma_wait3A_280 = tpu.memref_squeeze %dma_wait3A_279 : memref<1x128x128xf32, #tpu.memory_space<vmem>> -> memref<128x128xf32, #tpu.memory_space<vmem>>
        %dma_wait3A_281 = arith.constant 0 : i32
        %dma_wait3A_282 = tpu.memref_slice %arg4[%add3A_274, %dma_wait3A_281] : memref<819200x128xf32, #tpu.memory_space<hbm>> -> memref<128x128xf32, #tpu.memory_space<hbm>>
        %dma_wait3A_283 = tpu.memref_slice %arg8[%dma_wait3A_276] : memref<4x!tpu.dma_semaphore, #tpu.memory_space<semaphore_mem>> -> memref<1x!tpu.dma_semaphore, #tpu.memory_space<semaphore_mem>>
        %dma_wait3A_284 = tpu.memref_squeeze %dma_wait3A_283 : memref<1x!tpu.dma_semaphore, #tpu.memory_space<semaphore_mem>> -> memref<!tpu.dma_semaphore, #tpu.memory_space<semaphore_mem>>
        %dma_wait3A_285 = arith.constant 0 : i32
        %dma_wait3A_286 = tpu.memref_slice %arg4[%add3A_274, %dma_wait3A_285] : memref<819200x128xf32, #tpu.memory_space<hbm>> -> memref<128x128xf32, #tpu.memory_space<hbm>>
        %dma_wait3A_287 = arith.constant 0 : i32
        %dma_wait3A_288 = arith.constant 0 : i32
        %dma_wait3A_289 = tpu.memref_slice %arg6[%dma_wait3A_275, %dma_wait3A_287, %dma_wait3A_288] : memref<4x128x128xf32, #tpu.memory_space<vmem>> -> memref<1x128x128xf32, #tpu.memory_space<vmem>>
        %dma_wait3A_290 = tpu.memref_squeeze %dma_wait3A_289 : memref<1x128x128xf32, #tpu.memory_space<vmem>> -> memref<128x128xf32, #tpu.memory_space<vmem>>
        tpu.wait_dma2 semaphore(%dma_wait3A_284 : memref<!tpu.dma_semaphore, #tpu.memory_space<semaphore_mem>>) src(%dma_wait3A_290 : memref<128x128xf32, #tpu.memory_space<vmem>>) dst(%dma_wait3A_286 : memref<128x128xf32, #tpu.memory_space<hbm>>)
      } else {
      }
      %lt3A_165 = arith.constant 200 : i32
      %lt3A_166 = arith.cmpi slt, %add3A_157, %lt3A_165 : i32
      %convert_element_type3A_167 = arith.extui %lt3A_166 : i1 to i32
      %cond3A_168 = arith.constant 0 : i32
      %cond3A_169 = arith.cmpi ne, %convert_element_type3A_167, %cond3A_168 : i32
      scf.if %cond3A_169 {
        %dma_start3A_272 = arith.constant 3 : i32
        %dma_start3A_273 = arith.constant 3 : i32
        %dma_start3A_274 = arith.constant 0 : i32
        %dma_start3A_275 = arith.constant 0 : i32
        %dma_start3A_276 = tpu.memref_slice %arg6[%dma_start3A_272, %dma_start3A_274, %dma_start3A_275] : memref<4x128x128xf32, #tpu.memory_space<vmem>> -> memref<1x128x128xf32, #tpu.memory_space<vmem>>
        %dma_start3A_277 = tpu.memref_squeeze %dma_start3A_276 : memref<1x128x128xf32, #tpu.memory_space<vmem>> -> memref<128x128xf32, #tpu.memory_space<vmem>>
        %dma_start3A_278 = arith.constant 0 : i32
        %dma_start3A_279 = tpu.memref_slice %arg5[%add3A_157, %dma_start3A_278] : memref<200x128xi32, #tpu.memory_space<vmem>> -> memref<1x128xi32, #tpu.memory_space<vmem>>
        %dma_start3A_280 = tpu.memref_squeeze %dma_start3A_279 : memref<1x128xi32, #tpu.memory_space<vmem>> -> memref<128xi32, #tpu.memory_space<vmem>>
        %dma_start3A_281 = arith.constant 0 : i32
        %dma_start3A_282 = arith.constant 0 : i32
        %dma_start3A_283 = tpu.memref_slice %arg3[%dma_start3A_281, %dma_start3A_282] : memref<100000x128xf32, #tpu.memory_space<hbm>> -> memref<100000x128xf32, #tpu.memory_space<hbm>>
        %dma_start3A_284 = tpu.memref_slice %arg7[%dma_start3A_273] : memref<4x!tpu.dma_semaphore, #tpu.memory_space<semaphore_mem>> -> memref<1x!tpu.dma_semaphore, #tpu.memory_space<semaphore_mem>>
        %dma_start3A_285 = tpu.memref_squeeze %dma_start3A_284 : memref<1x!tpu.dma_semaphore, #tpu.memory_space<semaphore_mem>> -> memref<!tpu.dma_semaphore, #tpu.memory_space<semaphore_mem>>
        tpu.enqueue_indirect_dma source(%dma_start3A_283 : memref<100000x128xf32, #tpu.memory_space<hbm>>) target(%dma_start3A_277 : memref<128x128xf32, #tpu.memory_space<vmem>>) offsets(%dma_start3A_280 : memref<128xi32, #tpu.memory_space<vmem>>) semaphore(%dma_start3A_285 : memref<!tpu.dma_semaphore, #tpu.memory_space<semaphore_mem>>)
      } else {
      }
      %mul3A_170 = arith.constant 4 : i32
      %mul3A_171 = arith.muli %scan3A_72, %mul3A_170 : i32
      %add3A_172 = arith.constant 2 : i32
      %add3A_173 = arith.addi %mul3A_171, %add3A_172 : i32
      %dma_wait3A_174 = arith.constant 2 : i32
      %dma_wait3A_175 = arith.constant 2 : i32
      %dma_wait3A_176 = arith.constant 0 : i32
      %dma_wait3A_177 = arith.constant 0 : i32
      %dma_wait3A_178 = tpu.memref_slice %arg6[%dma_wait3A_174, %dma_wait3A_176, %dma_wait3A_177] : memref<4x128x128xf32, #tpu.memory_space<vmem>> -> memref<1x128x128xf32, #tpu.memory_space<vmem>>
      %dma_wait3A_179 = tpu.memref_squeeze %dma_wait3A_178 : memref<1x128x128xf32, #tpu.memory_space<vmem>> -> memref<128x128xf32, #tpu.memory_space<vmem>>
      %dma_wait3A_180 = arith.constant 0 : i32
      %dma_wait3A_181 = tpu.memref_slice %arg5[%add3A_173, %dma_wait3A_180] : memref<200x128xi32, #tpu.memory_space<vmem>> -> memref<1x128xi32, #tpu.memory_space<vmem>>
      %dma_wait3A_182 = tpu.memref_squeeze %dma_wait3A_181 : memref<1x128xi32, #tpu.memory_space<vmem>> -> memref<128xi32, #tpu.memory_space<vmem>>
      %dma_wait3A_183 = arith.constant 0 : i32
      %dma_wait3A_184 = arith.constant 0 : i32
      %dma_wait3A_185 = tpu.memref_slice %arg3[%dma_wait3A_183, %dma_wait3A_184] : memref<100000x128xf32, #tpu.memory_space<hbm>> -> memref<100000x128xf32, #tpu.memory_space<hbm>>
      %dma_wait3A_186 = tpu.memref_slice %arg7[%dma_wait3A_175] : memref<4x!tpu.dma_semaphore, #tpu.memory_space<semaphore_mem>> -> memref<1x!tpu.dma_semaphore, #tpu.memory_space<semaphore_mem>>
      %dma_wait3A_187 = tpu.memref_squeeze %dma_wait3A_186 : memref<1x!tpu.dma_semaphore, #tpu.memory_space<semaphore_mem>> -> memref<!tpu.dma_semaphore, #tpu.memory_space<semaphore_mem>>
      tpu.wait_indirect_dma semaphore(%dma_wait3A_187 : memref<!tpu.dma_semaphore, #tpu.memory_space<semaphore_mem>>) src(%dma_wait3A_185 : memref<100000x128xf32, #tpu.memory_space<hbm>>) dst(%dma_wait3A_179 : memref<128x128xf32, #tpu.memory_space<vmem>>)
      %mul3A_188 = arith.constant 128 : i32
      %mul3A_189 = arith.muli %add3A_173, %mul3A_188 : i32
      %add3A_190 = arith.addi %mul3A_2, %mul3A_189 : i32
      %dma_start3A_191 = arith.constant 2 : i32
      %dma_start3A_192 = arith.constant 2 : i32
      %dma_start3A_193 = arith.constant 0 : i32
      %dma_start3A_194 = arith.constant 0 : i32
      %dma_start3A_195 = tpu.memref_slice %arg6[%dma_start3A_191, %dma_start3A_193, %dma_start3A_194] : memref<4x128x128xf32, #tpu.memory_space<vmem>> -> memref<1x128x128xf32, #tpu.memory_space<vmem>>
      %dma_start3A_196 = tpu.memref_squeeze %dma_start3A_195 : memref<1x128x128xf32, #tpu.memory_space<vmem>> -> memref<128x128xf32, #tpu.memory_space<vmem>>
      %dma_start3A_197 = arith.constant 0 : i32
      %dma_start3A_198 = tpu.memref_slice %arg4[%add3A_190, %dma_start3A_197] : memref<819200x128xf32, #tpu.memory_space<hbm>> -> memref<128x128xf32, #tpu.memory_space<hbm>>
      %dma_start3A_199 = tpu.memref_slice %arg8[%dma_start3A_192] : memref<4x!tpu.dma_semaphore, #tpu.memory_space<semaphore_mem>> -> memref<1x!tpu.dma_semaphore, #tpu.memory_space<semaphore_mem>>
      %dma_start3A_200 = tpu.memref_squeeze %dma_start3A_199 : memref<1x!tpu.dma_semaphore, #tpu.memory_space<semaphore_mem>> -> memref<!tpu.dma_semaphore, #tpu.memory_space<semaphore_mem>>
      %dma_start3A_201 = arith.constant 0 : i32
      %dma_start3A_202 = tpu.memref_slice %arg4[%add3A_190, %dma_start3A_201] : memref<819200x128xf32, #tpu.memory_space<hbm>> -> memref<128x128xf32, #tpu.memory_space<hbm>>
      %dma_start3A_203 = arith.constant 0 : i32
      %dma_start3A_204 = arith.constant 0 : i32
      %dma_start3A_205 = tpu.memref_slice %arg6[%dma_start3A_191, %dma_start3A_203, %dma_start3A_204] : memref<4x128x128xf32, #tpu.memory_space<vmem>> -> memref<1x128x128xf32, #tpu.memory_space<vmem>>
      %dma_start3A_206 = tpu.memref_squeeze %dma_start3A_205 : memref<1x128x128xf32, #tpu.memory_space<vmem>> -> memref<128x128xf32, #tpu.memory_space<vmem>>
      tpu.enqueue_dma source(%dma_start3A_206 : memref<128x128xf32, #tpu.memory_space<vmem>>) target(%dma_start3A_202 : memref<128x128xf32, #tpu.memory_space<hbm>>) target_semaphore(%dma_start3A_200 : memref<!tpu.dma_semaphore, #tpu.memory_space<semaphore_mem>>)
      %add3A_207 = arith.constant 2 : i32
      %add3A_208 = arith.addi %add3A_173, %add3A_207 : i32
      %sub3A_209 = arith.constant 4 : i32
      %sub3A_210 = arith.subi %add3A_208, %sub3A_209 : i32
      %ge3A_211 = arith.constant 0 : i32
      %ge3A_212 = arith.cmpi sge, %sub3A_210, %ge3A_211 : i32
      %convert_element_type3A_213 = arith.extui %ge3A_212 : i1 to i32
      %cond3A_214 = arith.constant 0 : i32
      %cond3A_215 = arith.cmpi ne, %convert_element_type3A_213, %cond3A_214 : i32
      scf.if %cond3A_215 {
        %mul3A_272 = arith.constant 128 : i32
        %mul3A_273 = arith.muli %sub3A_210, %mul3A_272 : i32
        %add3A_274 = arith.addi %mul3A_2, %mul3A_273 : i32
        %dma_wait3A_275 = arith.constant 0 : i32
        %dma_wait3A_276 = arith.constant 0 : i32
        %dma_wait3A_277 = arith.constant 0 : i32
        %dma_wait3A_278 = arith.constant 0 : i32
        %dma_wait3A_279 = tpu.memref_slice %arg6[%dma_wait3A_275, %dma_wait3A_277, %dma_wait3A_278] : memref<4x128x128xf32, #tpu.memory_space<vmem>> -> memref<1x128x128xf32, #tpu.memory_space<vmem>>
        %dma_wait3A_280 = tpu.memref_squeeze %dma_wait3A_279 : memref<1x128x128xf32, #tpu.memory_space<vmem>> -> memref<128x128xf32, #tpu.memory_space<vmem>>
        %dma_wait3A_281 = arith.constant 0 : i32
        %dma_wait3A_282 = tpu.memref_slice %arg4[%add3A_274, %dma_wait3A_281] : memref<819200x128xf32, #tpu.memory_space<hbm>> -> memref<128x128xf32, #tpu.memory_space<hbm>>
        %dma_wait3A_283 = tpu.memref_slice %arg8[%dma_wait3A_276] : memref<4x!tpu.dma_semaphore, #tpu.memory_space<semaphore_mem>> -> memref<1x!tpu.dma_semaphore, #tpu.memory_space<semaphore_mem>>
        %dma_wait3A_284 = tpu.memref_squeeze %dma_wait3A_283 : memref<1x!tpu.dma_semaphore, #tpu.memory_space<semaphore_mem>> -> memref<!tpu.dma_semaphore, #tpu.memory_space<semaphore_mem>>
        %dma_wait3A_285 = arith.constant 0 : i32
        %dma_wait3A_286 = tpu.memref_slice %arg4[%add3A_274, %dma_wait3A_285] : memref<819200x128xf32, #tpu.memory_space<hbm>> -> memref<128x128xf32, #tpu.memory_space<hbm>>
        %dma_wait3A_287 = arith.constant 0 : i32
        %dma_wait3A_288 = arith.constant 0 : i32
        %dma_wait3A_289 = tpu.memref_slice %arg6[%dma_wait3A_275, %dma_wait3A_287, %dma_wait3A_288] : memref<4x128x128xf32, #tpu.memory_space<vmem>> -> memref<1x128x128xf32, #tpu.memory_space<vmem>>
        %dma_wait3A_290 = tpu.memref_squeeze %dma_wait3A_289 : memref<1x128x128xf32, #tpu.memory_space<vmem>> -> memref<128x128xf32, #tpu.memory_space<vmem>>
        tpu.wait_dma2 semaphore(%dma_wait3A_284 : memref<!tpu.dma_semaphore, #tpu.memory_space<semaphore_mem>>) src(%dma_wait3A_290 : memref<128x128xf32, #tpu.memory_space<vmem>>) dst(%dma_wait3A_286 : memref<128x128xf32, #tpu.memory_space<hbm>>)
      } else {
      }
      %lt3A_216 = arith.constant 200 : i32
      %lt3A_217 = arith.cmpi slt, %add3A_208, %lt3A_216 : i32
      %convert_element_type3A_218 = arith.extui %lt3A_217 : i1 to i32
      %cond3A_219 = arith.constant 0 : i32
      %cond3A_220 = arith.cmpi ne, %convert_element_type3A_218, %cond3A_219 : i32
      scf.if %cond3A_220 {
        %dma_start3A_272 = arith.constant 0 : i32
        %dma_start3A_273 = arith.constant 0 : i32
        %dma_start3A_274 = arith.constant 0 : i32
        %dma_start3A_275 = arith.constant 0 : i32
        %dma_start3A_276 = tpu.memref_slice %arg6[%dma_start3A_272, %dma_start3A_274, %dma_start3A_275] : memref<4x128x128xf32, #tpu.memory_space<vmem>> -> memref<1x128x128xf32, #tpu.memory_space<vmem>>
        %dma_start3A_277 = tpu.memref_squeeze %dma_start3A_276 : memref<1x128x128xf32, #tpu.memory_space<vmem>> -> memref<128x128xf32, #tpu.memory_space<vmem>>
        %dma_start3A_278 = arith.constant 0 : i32
        %dma_start3A_279 = tpu.memref_slice %arg5[%add3A_208, %dma_start3A_278] : memref<200x128xi32, #tpu.memory_space<vmem>> -> memref<1x128xi32, #tpu.memory_space<vmem>>
        %dma_start3A_280 = tpu.memref_squeeze %dma_start3A_279 : memref<1x128xi32, #tpu.memory_space<vmem>> -> memref<128xi32, #tpu.memory_space<vmem>>
        %dma_start3A_281 = arith.constant 0 : i32
        %dma_start3A_282 = arith.constant 0 : i32
        %dma_start3A_283 = tpu.memref_slice %arg3[%dma_start3A_281, %dma_start3A_282] : memref<100000x128xf32, #tpu.memory_space<hbm>> -> memref<100000x128xf32, #tpu.memory_space<hbm>>
        %dma_start3A_284 = tpu.memref_slice %arg7[%dma_start3A_273] : memref<4x!tpu.dma_semaphore, #tpu.memory_space<semaphore_mem>> -> memref<1x!tpu.dma_semaphore, #tpu.memory_space<semaphore_mem>>
        %dma_start3A_285 = tpu.memref_squeeze %dma_start3A_284 : memref<1x!tpu.dma_semaphore, #tpu.memory_space<semaphore_mem>> -> memref<!tpu.dma_semaphore, #tpu.memory_space<semaphore_mem>>
        tpu.enqueue_indirect_dma source(%dma_start3A_283 : memref<100000x128xf32, #tpu.memory_space<hbm>>) target(%dma_start3A_277 : memref<128x128xf32, #tpu.memory_space<vmem>>) offsets(%dma_start3A_280 : memref<128xi32, #tpu.memory_space<vmem>>) semaphore(%dma_start3A_285 : memref<!tpu.dma_semaphore, #tpu.memory_space<semaphore_mem>>)
      } else {
      }
      %mul3A_221 = arith.constant 4 : i32
      %mul3A_222 = arith.muli %scan3A_72, %mul3A_221 : i32
      %add3A_223 = arith.constant 3 : i32
      %add3A_224 = arith.addi %mul3A_222, %add3A_223 : i32
      %dma_wait3A_225 = arith.constant 3 : i32
      %dma_wait3A_226 = arith.constant 3 : i32
      %dma_wait3A_227 = arith.constant 0 : i32
      %dma_wait3A_228 = arith.constant 0 : i32
      %dma_wait3A_229 = tpu.memref_slice %arg6[%dma_wait3A_225, %dma_wait3A_227, %dma_wait3A_228] : memref<4x128x128xf32, #tpu.memory_space<vmem>> -> memref<1x128x128xf32, #tpu.memory_space<vmem>>
      %dma_wait3A_230 = tpu.memref_squeeze %dma_wait3A_229 : memref<1x128x128xf32, #tpu.memory_space<vmem>> -> memref<128x128xf32, #tpu.memory_space<vmem>>
      %dma_wait3A_231 = arith.constant 0 : i32
      %dma_wait3A_232 = tpu.memref_slice %arg5[%add3A_224, %dma_wait3A_231] : memref<200x128xi32, #tpu.memory_space<vmem>> -> memref<1x128xi32, #tpu.memory_space<vmem>>
      %dma_wait3A_233 = tpu.memref_squeeze %dma_wait3A_232 : memref<1x128xi32, #tpu.memory_space<vmem>> -> memref<128xi32, #tpu.memory_space<vmem>>
      %dma_wait3A_234 = arith.constant 0 : i32
      %dma_wait3A_235 = arith.constant 0 : i32
      %dma_wait3A_236 = tpu.memref_slice %arg3[%dma_wait3A_234, %dma_wait3A_235] : memref<100000x128xf32, #tpu.memory_space<hbm>> -> memref<100000x128xf32, #tpu.memory_space<hbm>>
      %dma_wait3A_237 = tpu.memref_slice %arg7[%dma_wait3A_226] : memref<4x!tpu.dma_semaphore, #tpu.memory_space<semaphore_mem>> -> memref<1x!tpu.dma_semaphore, #tpu.memory_space<semaphore_mem>>
      %dma_wait3A_238 = tpu.memref_squeeze %dma_wait3A_237 : memref<1x!tpu.dma_semaphore, #tpu.memory_space<semaphore_mem>> -> memref<!tpu.dma_semaphore, #tpu.memory_space<semaphore_mem>>
      tpu.wait_indirect_dma semaphore(%dma_wait3A_238 : memref<!tpu.dma_semaphore, #tpu.memory_space<semaphore_mem>>) src(%dma_wait3A_236 : memref<100000x128xf32, #tpu.memory_space<hbm>>) dst(%dma_wait3A_230 : memref<128x128xf32, #tpu.memory_space<vmem>>)
      %mul3A_239 = arith.constant 128 : i32
      %mul3A_240 = arith.muli %add3A_224, %mul3A_239 : i32
      %add3A_241 = arith.addi %mul3A_2, %mul3A_240 : i32
      %dma_start3A_242 = arith.constant 3 : i32
      %dma_start3A_243 = arith.constant 3 : i32
      %dma_start3A_244 = arith.constant 0 : i32
      %dma_start3A_245 = arith.constant 0 : i32
      %dma_start3A_246 = tpu.memref_slice %arg6[%dma_start3A_242, %dma_start3A_244, %dma_start3A_245] : memref<4x128x128xf32, #tpu.memory_space<vmem>> -> memref<1x128x128xf32, #tpu.memory_space<vmem>>
      %dma_start3A_247 = tpu.memref_squeeze %dma_start3A_246 : memref<1x128x128xf32, #tpu.memory_space<vmem>> -> memref<128x128xf32, #tpu.memory_space<vmem>>
      %dma_start3A_248 = arith.constant 0 : i32
      %dma_start3A_249 = tpu.memref_slice %arg4[%add3A_241, %dma_start3A_248] : memref<819200x128xf32, #tpu.memory_space<hbm>> -> memref<128x128xf32, #tpu.memory_space<hbm>>
      %dma_start3A_250 = tpu.memref_slice %arg8[%dma_start3A_243] : memref<4x!tpu.dma_semaphore, #tpu.memory_space<semaphore_mem>> -> memref<1x!tpu.dma_semaphore, #tpu.memory_space<semaphore_mem>>
      %dma_start3A_251 = tpu.memref_squeeze %dma_start3A_250 : memref<1x!tpu.dma_semaphore, #tpu.memory_space<semaphore_mem>> -> memref<!tpu.dma_semaphore, #tpu.memory_space<semaphore_mem>>
      %dma_start3A_252 = arith.constant 0 : i32
      %dma_start3A_253 = tpu.memref_slice %arg4[%add3A_241, %dma_start3A_252] : memref<819200x128xf32, #tpu.memory_space<hbm>> -> memref<128x128xf32, #tpu.memory_space<hbm>>
      %dma_start3A_254 = arith.constant 0 : i32
      %dma_start3A_255 = arith.constant 0 : i32
      %dma_start3A_256 = tpu.memref_slice %arg6[%dma_start3A_242, %dma_start3A_254, %dma_start3A_255] : memref<4x128x128xf32, #tpu.memory_space<vmem>> -> memref<1x128x128xf32, #tpu.memory_space<vmem>>
      %dma_start3A_257 = tpu.memref_squeeze %dma_start3A_256 : memref<1x128x128xf32, #tpu.memory_space<vmem>> -> memref<128x128xf32, #tpu.memory_space<vmem>>
      tpu.enqueue_dma source(%dma_start3A_257 : memref<128x128xf32, #tpu.memory_space<vmem>>) target(%dma_start3A_253 : memref<128x128xf32, #tpu.memory_space<hbm>>) target_semaphore(%dma_start3A_251 : memref<!tpu.dma_semaphore, #tpu.memory_space<semaphore_mem>>)
      %add3A_258 = arith.constant 2 : i32
      %add3A_259 = arith.addi %add3A_224, %add3A_258 : i32
      %sub3A_260 = arith.constant 4 : i32
      %sub3A_261 = arith.subi %add3A_259, %sub3A_260 : i32
      %ge3A_262 = arith.constant 0 : i32
      %ge3A_263 = arith.cmpi sge, %sub3A_261, %ge3A_262 : i32
      %convert_element_type3A_264 = arith.extui %ge3A_263 : i1 to i32
      %cond3A_265 = arith.constant 0 : i32
      %cond3A_266 = arith.cmpi ne, %convert_element_type3A_264, %cond3A_265 : i32
      scf.if %cond3A_266 {
        %mul3A_272 = arith.constant 128 : i32
        %mul3A_273 = arith.muli %sub3A_261, %mul3A_272 : i32
        %add3A_274 = arith.addi %mul3A_2, %mul3A_273 : i32
        %dma_wait3A_275 = arith.constant 1 : i32
        %dma_wait3A_276 = arith.constant 1 : i32
        %dma_wait3A_277 = arith.constant 0 : i32
        %dma_wait3A_278 = arith.constant 0 : i32
        %dma_wait3A_279 = tpu.memref_slice %arg6[%dma_wait3A_275, %dma_wait3A_277, %dma_wait3A_278] : memref<4x128x128xf32, #tpu.memory_space<vmem>> -> memref<1x128x128xf32, #tpu.memory_space<vmem>>
        %dma_wait3A_280 = tpu.memref_squeeze %dma_wait3A_279 : memref<1x128x128xf32, #tpu.memory_space<vmem>> -> memref<128x128xf32, #tpu.memory_space<vmem>>
        %dma_wait3A_281 = arith.constant 0 : i32
        %dma_wait3A_282 = tpu.memref_slice %arg4[%add3A_274, %dma_wait3A_281] : memref<819200x128xf32, #tpu.memory_space<hbm>> -> memref<128x128xf32, #tpu.memory_space<hbm>>
        %dma_wait3A_283 = tpu.memref_slice %arg8[%dma_wait3A_276] : memref<4x!tpu.dma_semaphore, #tpu.memory_space<semaphore_mem>> -> memref<1x!tpu.dma_semaphore, #tpu.memory_space<semaphore_mem>>
        %dma_wait3A_284 = tpu.memref_squeeze %dma_wait3A_283 : memref<1x!tpu.dma_semaphore, #tpu.memory_space<semaphore_mem>> -> memref<!tpu.dma_semaphore, #tpu.memory_space<semaphore_mem>>
        %dma_wait3A_285 = arith.constant 0 : i32
        %dma_wait3A_286 = tpu.memref_slice %arg4[%add3A_274, %dma_wait3A_285] : memref<819200x128xf32, #tpu.memory_space<hbm>> -> memref<128x128xf32, #tpu.memory_space<hbm>>
        %dma_wait3A_287 = arith.constant 0 : i32
        %dma_wait3A_288 = arith.constant 0 : i32
        %dma_wait3A_289 = tpu.memref_slice %arg6[%dma_wait3A_275, %dma_wait3A_287, %dma_wait3A_288] : memref<4x128x128xf32, #tpu.memory_space<vmem>> -> memref<1x128x128xf32, #tpu.memory_space<vmem>>
        %dma_wait3A_290 = tpu.memref_squeeze %dma_wait3A_289 : memref<1x128x128xf32, #tpu.memory_space<vmem>> -> memref<128x128xf32, #tpu.memory_space<vmem>>
        tpu.wait_dma2 semaphore(%dma_wait3A_284 : memref<!tpu.dma_semaphore, #tpu.memory_space<semaphore_mem>>) src(%dma_wait3A_290 : memref<128x128xf32, #tpu.memory_space<vmem>>) dst(%dma_wait3A_286 : memref<128x128xf32, #tpu.memory_space<hbm>>)
      } else {
      }
      %lt3A_267 = arith.constant 200 : i32
      %lt3A_268 = arith.cmpi slt, %add3A_259, %lt3A_267 : i32
      %convert_element_type3A_269 = arith.extui %lt3A_268 : i1 to i32
      %cond3A_270 = arith.constant 0 : i32
      %cond3A_271 = arith.cmpi ne, %convert_element_type3A_269, %cond3A_270 : i32
      scf.if %cond3A_271 {
        %dma_start3A_272 = arith.constant 1 : i32
        %dma_start3A_273 = arith.constant 1 : i32
        %dma_start3A_274 = arith.constant 0 : i32
        %dma_start3A_275 = arith.constant 0 : i32
        %dma_start3A_276 = tpu.memref_slice %arg6[%dma_start3A_272, %dma_start3A_274, %dma_start3A_275] : memref<4x128x128xf32, #tpu.memory_space<vmem>> -> memref<1x128x128xf32, #tpu.memory_space<vmem>>
        %dma_start3A_277 = tpu.memref_squeeze %dma_start3A_276 : memref<1x128x128xf32, #tpu.memory_space<vmem>> -> memref<128x128xf32, #tpu.memory_space<vmem>>
        %dma_start3A_278 = arith.constant 0 : i32
        %dma_start3A_279 = tpu.memref_slice %arg5[%add3A_259, %dma_start3A_278] : memref<200x128xi32, #tpu.memory_space<vmem>> -> memref<1x128xi32, #tpu.memory_space<vmem>>
        %dma_start3A_280 = tpu.memref_squeeze %dma_start3A_279 : memref<1x128xi32, #tpu.memory_space<vmem>> -> memref<128xi32, #tpu.memory_space<vmem>>
        %dma_start3A_281 = arith.constant 0 : i32
        %dma_start3A_282 = arith.constant 0 : i32
        %dma_start3A_283 = tpu.memref_slice %arg3[%dma_start3A_281, %dma_start3A_282] : memref<100000x128xf32, #tpu.memory_space<hbm>> -> memref<100000x128xf32, #tpu.memory_space<hbm>>
        %dma_start3A_284 = tpu.memref_slice %arg7[%dma_start3A_273] : memref<4x!tpu.dma_semaphore, #tpu.memory_space<semaphore_mem>> -> memref<1x!tpu.dma_semaphore, #tpu.memory_space<semaphore_mem>>
        %dma_start3A_285 = tpu.memref_squeeze %dma_start3A_284 : memref<1x!tpu.dma_semaphore, #tpu.memory_space<semaphore_mem>> -> memref<!tpu.dma_semaphore, #tpu.memory_space<semaphore_mem>>
        tpu.enqueue_indirect_dma source(%dma_start3A_283 : memref<100000x128xf32, #tpu.memory_space<hbm>>) target(%dma_start3A_277 : memref<128x128xf32, #tpu.memory_space<vmem>>) offsets(%dma_start3A_280 : memref<128xi32, #tpu.memory_space<vmem>>) semaphore(%dma_start3A_285 : memref<!tpu.dma_semaphore, #tpu.memory_space<semaphore_mem>>)
      } else {
      }
    }
    %scan3A_36 = arith.constant 50 : i32
    %add3A_37 = arith.constant 25344 : i32
    %add3A_38 = arith.addi %mul3A_2, %add3A_37 : i32
    %dma_wait3A = arith.constant 2 : i32
    %dma_wait3A_39 = arith.constant 2 : i32
    %dma_wait3A_40 = arith.constant 0 : i32
    %dma_wait3A_41 = arith.constant 0 : i32
    %dma_wait3A_42 = tpu.memref_slice %arg6[%dma_wait3A, %dma_wait3A_40, %dma_wait3A_41] : memref<4x128x128xf32, #tpu.memory_space<vmem>> -> memref<1x128x128xf32, #tpu.memory_space<vmem>>
    %dma_wait3A_43 = tpu.memref_squeeze %dma_wait3A_42 : memref<1x128x128xf32, #tpu.memory_space<vmem>> -> memref<128x128xf32, #tpu.memory_space<vmem>>
    %dma_wait3A_44 = arith.constant 0 : i32
    %dma_wait3A_45 = tpu.memref_slice %arg4[%add3A_38, %dma_wait3A_44] : memref<819200x128xf32, #tpu.memory_space<hbm>> -> memref<128x128xf32, #tpu.memory_space<hbm>>
    %dma_wait3A_46 = tpu.memref_slice %arg8[%dma_wait3A_39] : memref<4x!tpu.dma_semaphore, #tpu.memory_space<semaphore_mem>> -> memref<1x!tpu.dma_semaphore, #tpu.memory_space<semaphore_mem>>
    %dma_wait3A_47 = tpu.memref_squeeze %dma_wait3A_46 : memref<1x!tpu.dma_semaphore, #tpu.memory_space<semaphore_mem>> -> memref<!tpu.dma_semaphore, #tpu.memory_space<semaphore_mem>>
    %dma_wait3A_48 = arith.constant 0 : i32
    %dma_wait3A_49 = tpu.memref_slice %arg4[%add3A_38, %dma_wait3A_48] : memref<819200x128xf32, #tpu.memory_space<hbm>> -> memref<128x128xf32, #tpu.memory_space<hbm>>
    %dma_wait3A_50 = arith.constant 0 : i32
    %dma_wait3A_51 = arith.constant 0 : i32
    %dma_wait3A_52 = tpu.memref_slice %arg6[%dma_wait3A, %dma_wait3A_50, %dma_wait3A_51] : memref<4x128x128xf32, #tpu.memory_space<vmem>> -> memref<1x128x128xf32, #tpu.memory_space<vmem>>
    %dma_wait3A_53 = tpu.memref_squeeze %dma_wait3A_52 : memref<1x128x128xf32, #tpu.memory_space<vmem>> -> memref<128x128xf32, #tpu.memory_space<vmem>>
    tpu.wait_dma2 semaphore(%dma_wait3A_47 : memref<!tpu.dma_semaphore, #tpu.memory_space<semaphore_mem>>) src(%dma_wait3A_53 : memref<128x128xf32, #tpu.memory_space<vmem>>) dst(%dma_wait3A_49 : memref<128x128xf32, #tpu.memory_space<hbm>>)
    %add3A_54 = arith.constant 25472 : i32
    %add3A_55 = arith.addi %mul3A_2, %add3A_54 : i32
    %dma_wait3A_56 = arith.constant 3 : i32
    %dma_wait3A_57 = arith.constant 3 : i32
    %dma_wait3A_58 = arith.constant 0 : i32
    %dma_wait3A_59 = arith.constant 0 : i32
    %dma_wait3A_60 = tpu.memref_slice %arg6[%dma_wait3A_56, %dma_wait3A_58, %dma_wait3A_59] : memref<4x128x128xf32, #tpu.memory_space<vmem>> -> memref<1x128x128xf32, #tpu.memory_space<vmem>>
    %dma_wait3A_61 = tpu.memref_squeeze %dma_wait3A_60 : memref<1x128x128xf32, #tpu.memory_space<vmem>> -> memref<128x128xf32, #tpu.memory_space<vmem>>
    %dma_wait3A_62 = arith.constant 0 : i32
    %dma_wait3A_63 = tpu.memref_slice %arg4[%add3A_55, %dma_wait3A_62] : memref<819200x128xf32, #tpu.memory_space<hbm>> -> memref<128x128xf32, #tpu.memory_space<hbm>>
    %dma_wait3A_64 = tpu.memref_slice %arg8[%dma_wait3A_57] : memref<4x!tpu.dma_semaphore, #tpu.memory_space<semaphore_mem>> -> memref<1x!tpu.dma_semaphore, #tpu.memory_space<semaphore_mem>>
    %dma_wait3A_65 = tpu.memref_squeeze %dma_wait3A_64 : memref<1x!tpu.dma_semaphore, #tpu.memory_space<semaphore_mem>> -> memref<!tpu.dma_semaphore, #tpu.memory_space<semaphore_mem>>
    %dma_wait3A_66 = arith.constant 0 : i32
    %dma_wait3A_67 = tpu.memref_slice %arg4[%add3A_55, %dma_wait3A_66] : memref<819200x128xf32, #tpu.memory_space<hbm>> -> memref<128x128xf32, #tpu.memory_space<hbm>>
    %dma_wait3A_68 = arith.constant 0 : i32
    %dma_wait3A_69 = arith.constant 0 : i32
    %dma_wait3A_70 = tpu.memref_slice %arg6[%dma_wait3A_56, %dma_wait3A_68, %dma_wait3A_69] : memref<4x128x128xf32, #tpu.memory_space<vmem>> -> memref<1x128x128xf32, #tpu.memory_space<vmem>>
    %dma_wait3A_71 = tpu.memref_squeeze %dma_wait3A_70 : memref<1x128x128xf32, #tpu.memory_space<vmem>> -> memref<128x128xf32, #tpu.memory_space<vmem>>
    tpu.wait_dma2 semaphore(%dma_wait3A_65 : memref<!tpu.dma_semaphore, #tpu.memory_space<semaphore_mem>>) src(%dma_wait3A_71 : memref<128x128xf32, #tpu.memory_space<vmem>>) dst(%dma_wait3A_67 : memref<128x128xf32, #tpu.memory_space<hbm>>)
    return
  }
}

</mosaic_0001>

<sc_bundles>
// kernel: kernel.3.cloned.1.call-start
scs
__scs_entry_jumppad:
0x0: {  	(pc) =	sbr.rel $0x88, $3  }
0x1: {  	(tag) =	ssettag $0x0;
	lr =	simm.s32 $0x1  }
0x2: {  	[smem:$0x3F9F] =	sst lr;
	_ =	strace $0xD0000000  }
0x3: {  	_ = 	snop  }
0x4: {  	_ = 	snop  }
0x5: {  	_ = 	snop  }
0x6: {  	_ = 	snop  }
0x7: {  	_ = 	snop  }
__scs_overlays_trampoline_lowered:
0x8: {  	[smem:$0x3FAE] =	sst s0  }
0x9: {  	[smem:$0x3FAF] =	sst s1  }
0xa: {  	[smem:$0x3FB0] =	sst s2  }
0xb: {  	[smem:$0x3FB1] =	sst s3  }
0xc: {  	[smem:$0x3FB2] =	sst s4  }
0xd: {  	[smem:$0x3FB3] =	sst s5  }
0xe: {  	[smem:$0x3FB4] =	sst s6  }
0xf: {  	[smem:$0x3FB5] =	sst s7  }
0x10: {  	[smem:$0x3FB6] =	sst s8  }
0x11: {  	[smem:$0x3FB7] =	sst s9;
	s0 =	simm.s32 @!p0 $0x0  }
0x12: {  	s1 =	sld [smem:$0x3F9D];
	s0 =	simm.s32 @p0 $0x1  }
0x13: {  	[smem:$0x3FB8] =	sst s0;
	s0 =	simm.s32 @!p1 $0x0  }
0x14: {  	s2 =	sld [smem:$0x3F9C];
	s0 =	simm.s32 @p1 $0x1  }
0x15: {  	[smem:$0x3FB9] =	sst s0;
	s0 =	simm.s32 @!p2 $0x0  }
0x16: {  	s3 =	sld [smem:$0x3FDB];
	s0 =	simm.s32 @p2 $0x1  }
0x17: {  	s4 =	simm.s32 $0x1BF5;
	[smem:$0x3FBB] =	sst s0  }
0x18: {  	s0 =	sld [smem:$0x3F9E];
	_ =	swait.ge [sflag:s4], $0x0  }
0x19: {  	s7 =	sld [smem:$0x3F9F]  }
0x1a: {  	s8 =	sadd.s32 $0xFFFFE003, lr  }
0x1b: {  	s9 =	sadd.s32 $0xFFFFFEF7, lr;
	s5 =	simm.s32 $0xFFFFFFFF;
	p2 =	slt.u32 s8, $0xFFFFF086  }
0x1c: {  	p1 =	slt.u32 s9, $0xF7A;
	s5 =	simm.s32 @!p2 $0x0  }
0x1d: {  	s5 =	simm.s32 @p1 $0x1;
	p0 =	seq.s32 s7, s2  }
0x1e: {  	s7 =	smul.u32 @!p0 $0xF7A, s2;
	p2 =	seq.s32 @!p0 s5, $0x0  }
0x1f: {  	s9 =	smul.u32 $0xF7A, s1;
	s8 =	simm.s32 @!p0 $0x1BF5;
	p2 =	por !p2, p0  }
0x20: {  	[sflag:s8] =	ssyncset.s32 @!p0 $0xFFFFF086;
	s6 =	sadd.s32 @!p0 s3, s7;
	s7 =	simm.s32 @!p0 $0x108  }
0x21: {  	s3 =	sadd.s32 s3, s9;
	s6 =	sadd.s32 @!p0 $0x88, s6;
	s7 =	simm.s32 @p2 $0x1082  }
0x22: {  	[simem:s7], [sflag:s8] =	dma.local @!p0 [hbm:s6], $0xF7A  }
0x23: {  	s9 =	sor.u32 $0xD0000000, s2;
	s6 =	simm.s32 $0x108;
	_ =	swait.ge @!p0 [sflag:s8], $0x0  }
0x24: {  	s3 =	sadd.s32 $0x88, s3;
	s6 =	simm.s32 @!p1 $0x1082;
	[sflag:s4] =	ssyncset.s32 $0xFFFFF086  }
0x25: {  	[simem:s6], [sflag:s4] =	dma.local [hbm:s3], $0xF7A  }
0x26: {  	[smem:$0x3F9F] =	sst s1;
	(tag) =	ssettag s2;
	_ =	strace s9  }
0x27: {  	s1 =	sld [smem:$0x3FAF]  }
0x28: {  	s2 =	sld [smem:$0x3FB0]  }
0x29: {  	s4 =	sld [smem:$0x3FB2]  }
0x2a: {  	p0 =	seq.s32 s5, $0x0;
	s5 =	sld [smem:$0x3FB3]  }
0x2b: {  	s6 =	sld [smem:$0x3FB4]  }
0x2c: {  	s7 =	sld [smem:$0x3FB5]  }
0x2d: {  	s3 =	simm.s32 $0x108;
	s8 =	sld [smem:$0x3FB6]  }
0x2e: {  	s3 =	simm.s32 @!p0 $0x1082;
	s9 =	sld [smem:$0x3FB7]  }
0x2f: {  	lr =	sadd.s32 s0, s3;
	s0 =	sld [smem:$0x3FAE]  }
0x30: {  	s3 =	sld [smem:$0x3FB1]  }
0x31: {  	[smem:$0x3FBA] =	sst s10  }
0x32: {  	s10 =	sld [smem:$0x3FB8];
	_ =	sdelay $0x3  }
0x33: {  	p0 =	seq.s32 s10, $0x1;
	s10 =	sld [smem:$0x3FBA];
	_ =	sdelay $0x3  }
0x34: {  	[smem:$0x3FBA] =	sst s10  }
0x35: {  	s10 =	sld [smem:$0x3FB9];
	_ =	sdelay $0x3  }
0x36: {  	p1 =	seq.s32 s10, $0x1;
	s10 =	sld [smem:$0x3FBA];
	_ =	sdelay $0x3  }
0x37: {  	[smem:$0x3FBA] =	sst s10  }
0x38: {  	s10 =	sld [smem:$0x3FBB]  }
0x39: {  	_ = 	snop;
	(pc) =	sbr.ind lr, $3  }
0x3a: {  	_ = 	snop  }
0x3b: {  	_ = 	snop  }
0x3c: {  	p2 =	seq.s32 s10, $0x1;
	s10 =	sld [smem:$0x3FBA]  }
0x3d: {  	_ =	shalt  }
0x3e: {  	_ =	shalt  }
0x3f: {  	_ =	shalt  }
0x40: {  	_ =	shalt  }
0x41: {  	_ =	shalt  }
0x42: {  	_ =	shalt  }
0x43: {  	_ =	shalt  }
0x44: {  	_ =	shalt  }
0x45: {  	_ =	shalt  }
0x46: {  	_ =	shalt  }
0x47: {  	_ =	shalt  }
0x48: {  	_ =	shalt  }
0x49: {  	_ =	shalt  }
0x4a: {  	_ =	shalt  }
0x4b: {  	_ =	shalt  }
0x4c: {  	_ =	shalt  }
0x4d: {  	_ =	shalt  }
0x4e: {  	_ =	shalt  }
0x4f: {  	_ =	shalt  }
0x50: {  	_ =	shalt  }
0x51: {  	_ =	shalt  }
0x52: {  	_ =	shalt  }
0x53: {  	_ =	shalt  }
0x54: {  	_ =	shalt  }
0x55: {  	_ =	shalt  }
0x56: {  	_ =	shalt  }
0x57: {  	_ =	shalt  }
0x58: {  	_ =	shalt  }
0x59: {  	_ =	shalt  }
0x5a: {  	_ =	shalt  }
0x5b: {  	_ =	shalt  }
0x5c: {  	_ =	shalt  }
0x5d: {  	_ =	shalt  }
0x5e: {  	_ =	shalt  }
0x5f: {  	_ =	shalt  }
0x60: {  	_ =	shalt  }
0x61: {  	_ =	shalt  }
0x62: {  	_ =	shalt  }
0x63: {  	_ =	shalt  }
0x64: {  	_ =	shalt  }
0x65: {  	_ =	shalt  }
0x66: {  	_ =	shalt  }
0x67: {  	_ =	shalt  }
0x68: {  	_ =	shalt  }
0x69: {  	_ =	shalt  }
0x6a: {  	_ =	shalt  }
0x6b: {  	_ =	shalt  }
0x6c: {  	_ =	shalt  }
0x6d: {  	_ =	shalt  }
0x6e: {  	_ =	shalt  }
0x6f: {  	_ =	shalt  }
0x70: {  	_ =	shalt  }
0x71: {  	_ =	shalt  }
0x72: {  	_ =	shalt  }
0x73: {  	_ =	shalt  }
0x74: {  	_ =	shalt  }
0x75: {  	_ =	shalt  }
0x76: {  	_ =	shalt  }
0x77: {  	_ =	shalt  }
0x78: {  	_ =	shalt  }
0x79: {  	_ =	shalt  }
0x7a: {  	_ =	shalt  }
0x7b: {  	_ =	shalt  }
0x7c: {  	_ =	shalt  }
0x7d: {  	_ =	shalt  }
0x7e: {  	_ =	shalt  }
0x7f: {  	_ =	shalt  }
0x80: {  	_ =	shalt  }
0x81: {  	_ =	shalt  }
0x82: {  	_ =	shalt  }
0x83: {  	_ =	shalt  }
0x84: {  	_ =	shalt  }
0x85: {  	_ =	shalt  }
0x86: {  	_ =	shalt  }
0x87: {  	_ =	shalt  }
.Lfunc_end0:
.L_simem_size_0:
called_computation_lowered:
.L_overlay_start_0:
0x88: {  	s2 =	sld [smem:$0x3FD9]  }
0x89: {  	s3 =	sld [smem:$0x3FFE];
	_ =	sdelay $0x1  }
0x8a: {  	s1 =	srdreg.scid  }
0x8b: {  	s0 =	sand.u32 $0x1, s1  }
0x8c: {  	s17 =	sshll.u32 s0, $0xA;
	s2 =	sadd.s32 s3, s2  }
0x8d: {  	s2 =	sadd.s32 s2, s17  }
0x8e: {  	[smem:$0x3FC6] =	sst s2  }
0x8f: {  	_ = 	snop  }
0x90: {  	s2 =	sld [smem:$0x3FC8]  }
0x91: {  	s18 =	sld [smem:$0x3FD0];
	(tm) =	ssettm $0x1  }
0x92: {  	s4 =	sld [smem:$0x3FFB];
	_ =	sdelay $0x3  }
0x93: {  	_ =	strace s4  }
0x94: {  	s4 =	sld [smem:$0x3FFC];
	_ =	sdelay $0x3  }
0x95: {  	_ =	strace s4  }
0x96: {  	s4 =	sld [smem:$0x3FFD];
	_ =	sdelay $0x3  }
0x97: {  	_ =	strace s4  }
0x98: {  	_ =	strace $0x8FFFFFFF  }
0x99: {  	s19 =	sld [smem:$0x3FDB];
	_ =	sdelay $0x1  }
0x9a: {  	s5 =	simm.s32 $_scs_section_size  }
0x9b: {  	s6 =	simm.s32 $_size__tile_overlayer_lowered;
	s7 =	simm.s32 $_tile_overlayer_lowered  }
0x9c: {  	s22 =	simm.s32 $0x1BFF;
	s21 =	sshll.u32 s7, $0x1;
	s4 =	sadd.s32 s5, s19  }
0x9d: {  	s8 =	simm.s32 $0x0;
	s20 =	sshll.u32 s6, $0x1;
	s6 =	sadd.s32 s21, s4  }
0x9e: {  	[timem:s8], [sflag:s22] =	dma.local [hbm:s6], s20  }
0x9f: {  	_ =	swait.ge [sflag:s22], s20  }
0xa0: {  	s5 =	ssub.s32 $0x0, s20;
	[sflag:s22] =	ssyncset.done $0x0  }
0xa1: {  	[sflag:s22] =	ssyncadd.s32 s5;
	_ =	sdelay $0x1  }
0xa2: {  	s23 =	simm.s32 $0x1B8B  }
0xa3: {  	_ =	swait.ge [sflag:s23], $0x1  }
0xa4: {  	[sflag:s23] =	ssyncset.done $0x0  }
0xa5: {  	s25 =	simm.s32 $0x1B8E;
	s24 =	sld [smem:$0x3FFE];
	[sflag:s23] =	ssyncadd.s32 $0xFFFFFFFF  }
0xa6: {  	s26 =	simm.s32 $execute0_lowered;
	[smem:$0x3FD2] =	sst s25  }
0xa7: {  	s6 =	sshll.u32 s26, $0x1;
	_ =	strace $0x80000046;
	[dreg:$0x1] =	wrdreg $0xFFFFFFFF  }
0xa8: {  	s28 =	simm.s32 $_size_execute0_lowered;
	s4 =	sadd.s32 s4, s6;
	[dreg:$0x0] =	wrdreg $0x0  }
0xa9: {  	s6 =	sshll.u32 s28, $0x1;
	[dreg:$0x2] =	wrdreg s4  }
0xaa: {  	[dreg:$0x3] =	wrdreg s6  }
0xab: {  	[dreg:$0x4] =	wrdreg $0xC0  }
0xac: {  	_ =	task [dreg:s8], $0x5FFFF  }
0xad: {  	[dreg:$0x1] =	wrdreg $0xFFFFFFFF  }
0xae: {  	[dreg:$0x0] =	wrdreg $0x60  }
0xaf: {  	[dreg:$0x2] =	wrdreg s24  }
0xb0: {  	[dreg:$0x3] =	wrdreg s2  }
0xb1: {  	[dreg:$0x4] =	wrdreg s18  }
0xb2: {  	[dreg:$0x5] =	wrdreg $0x9  }
0xb3: {  	_ =	task.clear_ibuf [dreg:s8], $0x6FFFF;
	_ =	strace $0x90000046  }
0xb4: {  	s29 =	simm.s32 $0x9;
	_ =	strace $0x80000048  }
0xb5: {  	_ =	swait.ge [sflag:s29], $0x1  }
0xb6: {  	[sflag:s29] =	ssyncadd.s32 $0xFFFFFFFF  }
0xb7: {  	_ =	strace $0x90000048  }
0xb8: {  	_ =	sfence  }
0xb9: {  	s30 =	sld [smem:$0x0];
	_ =	sdelay $0x2  }
0xba: {  	s31 =	sshll.u32 s1, $0xD;
	s1 =	sshrl.u32 s1, $0x2  }
0xbb: {  	s3 =	sand.u32 $0x4000, s31;
	s1 =	sadd.s32 s1, s30  }
0xbc: {  	s0 =	sor.u32 s3, s0;
	s1 =	sshll.u32 s1, $0x11  }
0xbd: {  	s0 =	sor.u32 s1, s0  }
0xbe: {  	s0 =	sadd.s32 $0x8F2B, s0  }
0xbf: {  	[sflag:s0] =	ssyncadd.remote.s32 $0x1  }
0xc0: {  	_ =	sfence.sel $0xFFFF  }
0xc1: {  	[dreg:$0x0] =	wrdreg $0xFFFFFFFF;
	(pc) =	sbr.abs _section_cstart, $3  }
0xc2: {  	[dreg:$0x1] =	wrdreg $0xFFFFFFFF  }
0xc3: {  	_ =	task.clear_ibuf [dreg:s8], $0x2FFFF;
	_ =	strace $0x9FFFFFFF  }
0xc4: {  	(tm) =	ssettm $0x7FFFFFFF  }
0xc5: {  	_ =	shalt  }
tec
execute0_lowered:
.L_overlay_start_1:
0x0: {  	(tag) =	ssettag $0x1  }
0x1: {  	s4 =	rddreg [dreg:$0x0]  }
0x2: {  	s2 =	rddreg [dreg:$0x1]  }
0x3: {  	s9 =	rddreg [dreg:$0x2];
	s3 =	srdreg.scid  }
0x4: {  	s0 =	stileid.u32;
	s11 =	simm.s32 $0x80;
	s12 =	simm.s32 $0x6400  }
0x5: {  	s13 =	simm.s32 $0xA400;
	s14 =	simm.s32 $0x1;
	s15 =	simm.s32 $0xE400  }
0x6: {  	s16 =	simm.s32 $0x2;
	s17 =	simm.s32 $0x12400;
	s18 =	simm.s32 $0x3  }
0x7: {  	s19 =	simm.s32 $0x5;
	s20 =	simm.s32 $0x4;
	s21 =	simm.s32 $0x6  }
0x8: {  	s22 =	simm.s32 $0x7;
	s23 =	simm.s32 $0x8;
	s24 =	simm.s32 $0x0  }
0x9: {  	s5 =	sand.u32 $0x1, s3;
	s6 =	sshll.u32 s0, $0x1;
	s7 =	smul.u32 $0x640000, s0  }
0xa: {  	s3 =	simm.s32 $0x0;
	s6 =	sor.u32 s5, s6;
	s8 =	smul.u32 $0x320000, s5  }
0xb: {  	[smem:$0x7FF] =	sst s3;
	s5 =	ssub.s32 $0x2, s5;
	s6 =	smul.u32 $0xC80, s6  }
0xc: {  	_ =	strace $0x80000047;
	s10 =	sshrl.u32 s5, $0x1;
	s7 =	sadd.s32 s8, s7  }
0xd: {  	s5 =	ssub.s32 s5, s10;
	s4 =	sadd.s32 s6, s4;
	s29 =	sor.u32 $0x4000, s7  }
.Ltmp0:
0xe: {  	s5 =	smax.u32 s5, $0x1;
	s8 =	sor.u32 $0xC000, s7;
	(pc) =	sbr.rel .LBB2_1-.Ltmp0, $4  }
0xf: {  	s31 =	sor.u32 $0x8000, s7;
	s7 =	sshrl.u32 s7, $0x3;
	s30 =	sadd.s32 $0x400, s4  }
0x10: {  	s6 =	sshrl.u32 s29, $0x3;
	s8 =	sshrl.u32 s8, $0x3;
	s10 =	sshrl.u32 s31, $0x3  }
0x11: {  	s7 =	sadd.s32 s7, s9;
	[dreg:$0x4] =	wrdreg s30;
	s6 =	sadd.s32 s6, s9  }
0x12: {  	s8 =	sadd.s32 s8, s9;
	s9 =	sadd.s32 s10, s9;
	s10 =	simm.s32 $0x9  }
.LBB2_4:
0x13: {  	s24 =	sadd.s32 $0x1, s24  }
0x14: {  	_ =	swait.ge [sflag:s22], $0x4000;
	p0 =	sne.s32 s24, s5  }
.Ltmp1:
0x15: {  	[sflag:s22] =	ssyncset.done $0x0;
	(pc) =	sbr.rel @!p0 .LBB2_5-.Ltmp1, $4  }
0x16: {  	[sflag:s22] =	ssyncadd.s32 $0xFFFFC000  }
0x17: {  	_ =	swait.ge [sflag:s23], $0x4000  }
0x18: {  	[sflag:s23] =	ssyncset.done $0x0  }
0x19: {  	[sflag:s23] =	ssyncadd.s32 $0xFFFFC000  }
.LBB2_1:
0x1a: {  	s0 =	rddreg [dreg:$0x4]  }
0x1b: {  	[tilespmem:s3], [sflag:$0x9] =	stream.linear.gather [hbm4b:s0+s3], $0x6400, $0x38;
	[tilespmem:$0x16400] =	vst v63  }
0x1c: {  	_ =	swait.ge [sflag:s10], $0x6400  }
0x1d: {  	[sflag:s10] =	ssyncset.done $0x0  }
0x1e: {  	s25 =	smov.u32 s9;
	s26 =	smov.u32 s8;
	[sflag:s10] =	ssyncadd.s32 $0xFFFF9C00  }
0x1f: {  	[tilespmem:s12], [sflag:$0x1] =	stream.indirect.gather [hbm4b:s2+s11], $0x80, s3, s11, $0xb8;
	[tilespmem:$0x16400] =	vst v63  }
0x20: {  	s28 =	smov.u32 s7;
	s29 =	smov.u32 s6;
	s30 =	simm.s32 $0x0  }
0x21: {  	[tilespmem:s13], [sflag:$0x2] =	stream.indirect.gather [hbm4b:s2+s11], $0x80, s11, s11, $0xb8;
	[tilespmem:$0x16400] =	vst v63  }
.LBB2_2:
0x22: {  	_ =	swait.ge [sflag:s14], $0x4000  }
0x23: {  	p0 =	seq.s32 s30, $0x0;
	[sflag:s14] =	ssyncset.done $0x0  }
0x24: {  	s0 =	simm.s32 @!p0 $0x7;
	[sflag:s14] =	ssyncadd.s32 $0xFFFFC000  }
0x25: {  	[hbm4b:s28+s3] =	stream.linear.scatter [tilespmem:s12], [sflag:$0x5], $0x4000, $0x38;
	[tilespmem:$0x16400] =	vst v63  }
0x26: {  	_ =	swait.ge @!p0 [sflag:s0], $0x4000  }
0x27: {  	s31 =	sshra.s32 s30, $0x2;
	[sflag:s0] =	ssyncset.done @!p0 $0x0  }
0x28: {  	s1 =	sadd.s32 $0x100, s31;
	[sflag:s0] =	ssyncadd.s32 @!p0 $0xFFFFC000  }
0x29: {  	[tilespmem:s15], [sflag:$0x3] =	stream.indirect.gather [hbm4b:s2+s11], $0x80, s1, s11, $0xb8;
	[tilespmem:$0x16400] =	vst v63  }
0x2a: {  	_ =	swait.ge [sflag:s16], $0x4000  }
0x2b: {  	[sflag:s16] =	ssyncset.done $0x0  }
0x2c: {  	s0 =	simm.s32 @!p0 $0x8;
	[sflag:s16] =	ssyncadd.s32 $0xFFFFC000  }
0x2d: {  	[hbm4b:s29+s3] =	stream.linear.scatter [tilespmem:s13], [sflag:$0x6], $0x4000, $0x38;
	[tilespmem:$0x16400] =	vst v63  }
0x2e: {  	_ =	swait.ge @!p0 [sflag:s0], $0x4000  }
0x2f: {  	[sflag:s0] =	ssyncset.done @!p0 $0x0  }
0x30: {  	s4 =	sadd.s32 $0x180, s31;
	[sflag:s0] =	ssyncadd.s32 @!p0 $0xFFFFC000  }
0x31: {  	[tilespmem:s17], [sflag:$0x4] =	stream.indirect.gather [hbm4b:s2+s11], $0x80, s4, s11, $0xb8;
	[tilespmem:$0x16400] =	vst v63  }
0x32: {  	_ =	swait.ge [sflag:s18], $0x4000  }
0x33: {  	[sflag:s18] =	ssyncset.done $0x0  }
0x34: {  	[sflag:s18] =	ssyncadd.s32 $0xFFFFC000  }
0x35: {  	[hbm4b:s25+s3] =	stream.linear.scatter [tilespmem:s15], [sflag:$0x7], $0x4000, $0x38;
	[tilespmem:$0x16400] =	vst v63  }
0x36: {  	p0 =	seq.s32 s30, $0x18800;
	_ =	swait.ge [sflag:s19], $0x4000  }
0x37: {  	s0 =	sshra.s32 @!p0 s30, $0x2;
	s1 =	simm.s32 @!p0 $0x80;
	[sflag:s19] =	ssyncset.done $0x0  }
0x38: {  	s4 =	simm.s32 @!p0 $0x6400;
	s0 =	sadd.s32 @!p0 $0x200, s0;
	[sflag:s19] =	ssyncadd.s32 $0xFFFFC000  }
0x39: {  	[tilespmem:s4], [sflag:$0x1] =	stream.indirect.gather @!p0 [hbm4b:s2+s1], $0x80, s0, s1, $0xb8;
	[tilespmem:$0x16400] =	vst v63  }
0x3a: {  	_ =	swait.ge [sflag:s20], $0x4000  }
0x3b: {  	[sflag:s20] =	ssyncset.done $0x0  }
.Ltmp2:
0x3c: {  	[sflag:s20] =	ssyncadd.s32 $0xFFFFC000;
	(pc) =	sbr.rel @p0 .LBB2_4-.Ltmp2, $4  }
0x3d: {  	[hbm4b:s26+s3] =	stream.linear.scatter [tilespmem:s17], [sflag:$0x8], $0x4000, $0x38;
	[tilespmem:$0x16400] =	vst v63  }
0x3e: {  	_ =	swait.ge [sflag:s21], $0x4000  }
0x3f: {  	[sflag:s21] =	ssyncset.done $0x0  }
0x40: {  	[sflag:s21] =	ssyncadd.s32 $0xFFFFC000  }
.Ltmp3:
0x41: {  	(pc) =	sbr.rel .LBB2_2-.Ltmp3, $4  }
0x42: {  	_ = 	snop  }
0x43: {  	s0 =	sadd.s32 $0x280, s31;
	s30 =	sadd.s32 $0x800, s30;
	s29 =	sadd.s32 $0x2000, s29  }
0x44: {  	s28 =	sadd.s32 $0x2000, s28;
	s26 =	sadd.s32 $0x2000, s26;
	s25 =	sadd.s32 $0x2000, s25  }
0x45: {  	[tilespmem:s13], [sflag:$0x2] =	stream.indirect.gather [hbm4b:s2+s11], $0x80, s0, s11, $0xb8;
	[tilespmem:$0x16400] =	vst v63  }
.LBB2_5:
0x46: {  	_ =	sfence.sel $0x180000  }
0x47: {  	[bflag:$0x0] =	sbarrier.arrive $0xFFFF  }
0x48: {  	_ =	strace $0x90000047  }
0x49: {  	s0 =	stileid.u32;
	[bflag:$0x2] =	sbarrier.arrive $0xFFFF  }
0x4a: {  	p0 =	sne.s32 s0, $0x0;
	s0 =	rddreg [dreg:$0x3]  }
0x4b: {  	s0 =	sadd.s32 @!p0 $0x100000, s0  }
0x4c: {  	[sflag:s0] =	ssyncadd.tile.s32 @!p0 $0x1;
	_ =	shalt  }
.Lfunc_end2:
_tile_overlayer_lowered:
.L_overlay_start_2:
0x4d: {  	(tag) =	ssettag $0x2  }
0x4e: {  	s0 =	rddreg [dreg:$0x0];
	s2 =	stileid.u32  }
0x4f: {  	s1 =	rddreg [dreg:$0x1];
	p0 =	sne.s32 s2, $0x0  }
0x50: {  	s3 =	rddreg [dreg:$0x2];
	[bflag:$0x3] =	sbarrier.arrive $0xFFFF;
	s2 =	simm.s32 @!p0 $0x1C09  }
0x51: {  	[timem:s3], [sflag:s2] =	dma.local @!p0 [hbm:s0], s1  }
0x52: {  	s0 =	simm.s32 @!p0 $0x9  }
0x53: {  	_ =	swait.ge @!p0 [sflag:s0], s1  }
0x54: {  	s1 =	ssub.s32 @!p0 $0x0, s1;
	[sflag:s0] =	ssyncset.done @!p0 $0x0  }
0x55: {  	[sflag:s0] =	ssyncadd.s32 @!p0 s1  }
0x56: {  	[bflag:$0x3] =	sbarrier.arrive $0xFFFF  }
0x57: {  	_ =	shalt  }

</sc_bundles>
